<compile_context>
chip_gen: v7x
topology: tpu7x:2x2x1
jax: 0.10.2.dev20260603
libtpu: 0.0.44.dev20260713+nightly
codegen_flags: <defaults>
</compile_context>

<pallas_src>
import functools

import jax
import jax.numpy as jnp
from jax.experimental import pallas as pl

_VOCAB_PAD = 512
_BN = 2048


def _table_body(emb_ref, w_ref, b_ref, t_ref):
    prod = jax.lax.dot_general(
        emb_ref[...], w_ref[...],
        dimension_numbers=(((1,), (1,)), ((), ())),
        preferred_element_type=jnp.float32,
    )
    t_ref[...] = jnp.tanh(prod + b_ref[...])


def _lookup_body(x_ref, t_ref, o_ref):
    idx = x_ref[...]
    iota = jax.lax.broadcasted_iota(jnp.int32, (_BN, _VOCAB_PAD), 1)
    onehot = (idx == iota).astype(jnp.float32)
    o_ref[...] = jax.lax.dot_general(
        onehot, t_ref[...],
        dimension_numbers=(((1,), (0,)), ((), ())),
        preferred_element_type=jnp.float32,
    )


@jax.jit
def kernel(x, emb, W, b):
    B, L = x.shape
    V, D = emb.shape
    O = W.shape[0]
    emb_pad = jnp.zeros((_VOCAB_PAD, D), jnp.float32).at[:V].set(emb)

    table = pl.pallas_call(
        _table_body,
        out_shape=jax.ShapeDtypeStruct((_VOCAB_PAD, O), jnp.float32),
    )(emb_pad, W, b.reshape(1, O))

    n = B * L
    x_col = x.reshape(n, 1).astype(jnp.int32)
    out = pl.pallas_call(
        _lookup_body,
        grid=(n // _BN,),
        in_specs=[
            pl.BlockSpec((_BN, 1), lambda i: (i, 0)),
            pl.BlockSpec((_VOCAB_PAD, O), lambda i: (0, 0)),
        ],
        out_specs=pl.BlockSpec((_BN, O), lambda i: (i, 0)),
        out_shape=jax.ShapeDtypeStruct((n, O), jnp.float32),
    )(x_col, table)
    return out.reshape(B, L, O)

# --- scband reference (transcript-rebuilt; emitter-appended) ---
"""Pipeline reference for scband-text-sumer-9895604650312 (READ-ONLY COPY).

The authoritative reference and input builder live on the scoring server;
editing this copy changes nothing except your own understanding.
"""

import jax, jax.numpy as jnp
import numpy as np


def setup_inputs(seed: int = 0) -> dict:
    key = jax.random.key(seed)
    k_x, k_emb, k_w, k_b = jax.random.split(key, 4)
    x = jax.random.randint(k_x, (4096, 200), 0, 500, dtype=jnp.int64)
    # nn.Embedding(500, 100): weights ~ N(0,1)
    emb = jax.random.normal(k_emb, (500, 100), dtype=jnp.float32)
    # nn.Linear(100, 30): kaiming-uniform-ish init
    bound = 1.0 / np.sqrt(100.0)
    W = jax.random.uniform(k_w, (30, 100), dtype=jnp.float32, minval=-bound, maxval=bound)
    b = jax.random.uniform(k_b, (30,), dtype=jnp.float32, minval=-bound, maxval=bound)
    return {"x": x, "emb": emb, "W": W, "b": b}


def reference(x, emb, W, b):
    # x = self.embedding(x)
    h = jnp.take(emb, x, axis=0)  # [B, L, 100]
    # x = self.linear(x)
    y = jnp.einsum('bld,od->blo', h, W) + b  # [B, L, 30]
    # x = self.tanh(x)
    return jnp.tanh(y)

if __name__ == "__main__":
    import jax
    _d = setup_inputs()
    print(jax.jit(kernel)(*tuple(_d.values())))

</pallas_src>

<mosaic_0001>
module attributes {stable_mosaic.version = 14 : i64} {
  func.func @_lookup_body(%arg0: i32, %arg1: memref<2048x1xi32, #tpu.memory_space<vmem>>, %arg2: memref<512x30xf32, #tpu.memory_space<vmem>>, %arg3: memref<2048x30xf32, #tpu.memory_space<vmem>>) attributes {dimension_semantics = [#tpu.dimension_semantics<arbitrary>], iteration_bounds = array<i64: 400>, scalar_prefetch = 0 : i64, scratch_operands = 0 : i64, tpu.core_type = #tpu.core_type<tc>, window_params = [{transform_indices = @transform_0, window_bounds = array<i64: 2048, 1>}, {pipeline_mode = #tpu.pipeline_mode<synchronous>, transform_indices = @transform_1, window_bounds = array<i64: 512, 30>}, {transform_indices = @transform_2, window_bounds = array<i64: 2048, 30>}]} {
    %get3A = arith.constant 0 : index
    %get3A_0 = arith.constant 0 : index
    %get3A_1 = vector.load %arg1[%get3A, %get3A_0] : memref<2048x1xi32, #tpu.memory_space<vmem>>, vector<2048x1xi32>
    %iota3A = tpu.iota {dimensions = array<i32: 1>} : vector<2048x512xi32>
    %eq3A = vector.broadcast %get3A_1 : vector<2048x1xi32> to vector<2048x512xi32>
    %eq3A_2 = arith.cmpi eq, %eq3A, %iota3A : vector<2048x512xi32>
    %convert_element_type3A = arith.extui %eq3A_2 : vector<2048x512xi1> to vector<2048x512xi32>
    %convert_element_type3A_3 = arith.sitofp %convert_element_type3A : vector<2048x512xi32> to vector<2048x512xf32>
    %get3A_4 = arith.constant 0 : index
    %get3A_5 = arith.constant 0 : index
    %get3A_6 = vector.load %arg2[%get3A_4, %get3A_5] : memref<512x30xf32, #tpu.memory_space<vmem>>, vector<512x30xf32>
    %dot_general3A = arith.constant dense<0.000000e+00> : vector<2048x30xf32>
    %dot_general3A_7 = tpu.matmul %convert_element_type3A_3, %get3A_6, %dot_general3A {dimension_numbers = #tpu.dot_dimension_numbers<[1], [0], [0], [1], [0, 0, 1, 1], [], []>, transpose_lhs_hint = false} : vector<2048x512xf32>, vector<512x30xf32>, vector<2048x30xf32> -> vector<2048x30xf32>
    %swap3A = arith.constant 0 : index
    %swap3A_8 = arith.constant 0 : index
    %swap3A_9 = vector.load %arg3[%swap3A, %swap3A_8] : memref<2048x30xf32, #tpu.memory_space<vmem>>, vector<2048x30xf32>
    tpu.vector_store %arg3[%swap3A, %swap3A_8], %dot_general3A_7 {strides = array<i32>} : memref<2048x30xf32, #tpu.memory_space<vmem>>, vector<2048x30xf32>,
    return
  }
  func.func @transform_0(%arg0: i32) -> (i32, i32) {
    %c0_i32 = arith.constant 0 : i32
    %c0_i32_0 = arith.constant 0 : i32
    return %arg0, %c0_i32 : i32, i32
  }
  func.func @transform_1(%arg0: i32) -> (i32, i32) {
    %c0_i32 = arith.constant 0 : i32
    %c0_i32_0 = arith.constant 0 : i32
    %c0_i32_1 = arith.constant 0 : i32
    return %c0_i32, %c0_i32_0 : i32, i32
  }
  func.func @transform_2(%arg0: i32) -> (i32, i32) {
    %c0_i32 = arith.constant 0 : i32
    %c0_i32_0 = arith.constant 0 : i32
    return %arg0, %c0_i32 : i32, i32
  }
}

module attributes {stable_mosaic.version = 14 : i64} {
  func.func @_table_body(%arg0: memref<512x100xf32, #tpu.memory_space<vmem>>, %arg1: memref<30x100xf32, #tpu.memory_space<vmem>>, %arg2: memref<1x30xf32, #tpu.memory_space<vmem>>, %arg3: memref<512x30xf32, #tpu.memory_space<vmem>>) attributes {dimension_semantics = [], scalar_prefetch = 0 : i64, scratch_operands = 0 : i64, tpu.core_type = #tpu.core_type<tc>} {
    %get3A = arith.constant 0 : index
    %get3A_0 = arith.constant 0 : index
    %get3A_1 = vector.load %arg0[%get3A, %get3A_0] : memref<512x100xf32, #tpu.memory_space<vmem>>, vector<512x100xf32>
    %get3A_2 = arith.constant 0 : index
    %get3A_3 = arith.constant 0 : index
    %get3A_4 = vector.load %arg1[%get3A_2, %get3A_3] : memref<30x100xf32, #tpu.memory_space<vmem>>, vector<30x100xf32>
    %dot_general3A = arith.constant dense<0.000000e+00> : vector<512x30xf32>
    %dot_general3A_5 = tpu.matmul %get3A_1, %get3A_4, %dot_general3A {dimension_numbers = #tpu.dot_dimension_numbers<[1], [1], [0], [0], [0, 0, 1, 0], [], []>, transpose_lhs_hint = false} : vector<512x100xf32>, vector<30x100xf32>, vector<512x30xf32> -> vector<512x30xf32>
    %get3A_6 = arith.constant 0 : index
    %get3A_7 = arith.constant 0 : index
    %get3A_8 = vector.load %arg2[%get3A_6, %get3A_7] : memref<1x30xf32, #tpu.memory_space<vmem>>, vector<1x30xf32>
    %add3A = vector.broadcast %get3A_8 : vector<1x30xf32> to vector<512x30xf32>
    %add3A_9 = arith.addf %dot_general3A_5, %add3A : vector<512x30xf32>
    %tanh3A = math.tanh %add3A_9 : vector<512x30xf32>
    %swap3A = arith.constant 0 : index
    %swap3A_10 = arith.constant 0 : index
    %swap3A_11 = vector.load %arg3[%swap3A, %swap3A_10] : memref<512x30xf32, #tpu.memory_space<vmem>>, vector<512x30xf32>
    tpu.vector_store %arg3[%swap3A, %swap3A_10], %tanh3A {strides = array<i32>} : memref<512x30xf32, #tpu.memory_space<vmem>>, vector<512x30xf32>,
    return
  }
}

</mosaic_0001>

<sc_bundles>
// kernel: sparse-core-data-format-call.cloned.1.call-start
scs
called_computation_lowered:
.L_overlay_start_0:
0x0: {  	s2 =	sld [smem:$0x3FD9]  }
0x1: {  	s3 =	sld [smem:$0x3FFE];
	_ =	sdelay $0x1  }
0x2: {  	s1 =	srdreg.scid  }
0x3: {  	s0 =	sand.u32 $0x1, s1  }
0x4: {  	s18 =	sshll.u32 s0, $0xA;
	s2 =	sadd.s32 s3, s2  }
0x5: {  	s2 =	sadd.s32 s2, s18  }
0x6: {  	[smem:$0x3FC4] =	sst s2  }
0x7: {  	_ = 	snop  }
0x8: {  	s2 =	sld [smem:$0x3FD0];
	(tm) =	ssettm $0x1  }
0x9: {  	s19 =	sld [smem:$0x3FFB];
	_ =	sdelay $0x3  }
0xa: {  	_ =	strace s19  }
0xb: {  	s3 =	sld [smem:$0x3FFC];
	_ =	sdelay $0x3  }
0xc: {  	_ =	strace s3  }
0xd: {  	s3 =	sld [smem:$0x3FFD];
	_ =	sdelay $0x3  }
0xe: {  	_ =	strace s3  }
0xf: {  	_ =	strace $0x8FFFFFFF  }
0x10: {  	s20 =	sld [smem:$0x3FDB];
	_ =	sdelay $0x1  }
0x11: {  	s4 =	simm.s32 $_scs_section_size  }
0x12: {  	s5 =	simm.s32 $_size__tile_overlayer_lowered;
	s6 =	simm.s32 $_tile_overlayer_lowered  }
0x13: {  	s23 =	simm.s32 $0x1BFF;
	s22 =	sshll.u32 s6, $0x1;
	s3 =	sadd.s32 s4, s20  }
0x14: {  	s7 =	simm.s32 $0x0;
	s21 =	sshll.u32 s5, $0x1;
	s5 =	sadd.s32 s22, s3  }
0x15: {  	[timem:s7], [sflag:s23] =	dma.local [hbm:s5], s21  }
0x16: {  	_ =	swait.ge [sflag:s23], s21  }
0x17: {  	s4 =	ssub.s32 $0x0, s21;
	[sflag:s23] =	ssyncset.done $0x0  }
0x18: {  	[sflag:s23] =	ssyncadd.s32 s4;
	_ =	sdelay $0x1  }
0x19: {  	s24 =	simm.s32 $0x1B8B  }
0x1a: {  	_ =	swait.ge [sflag:s24], $0x1  }
0x1b: {  	[sflag:s24] =	ssyncset.done $0x0  }
0x1c: {  	s26 =	simm.s32 $0x1B8E;
	s25 =	sld [smem:$0x3FFE];
	[sflag:s24] =	ssyncadd.s32 $0xFFFFFFFF  }
0x1d: {  	s27 =	simm.s32 $execute0_lowered;
	[smem:$0x3FD2] =	sst s26  }
0x1e: {  	s5 =	sshll.u32 s27, $0x1;
	_ =	strace $0x80000046;
	[dreg:$0x1] =	wrdreg $0xFFFFFFFF  }
0x1f: {  	s28 =	simm.s32 $_size_execute0_lowered;
	s3 =	sadd.s32 s3, s5;
	[dreg:$0x0] =	wrdreg $0x0  }
0x20: {  	s5 =	sshll.u32 s28, $0x1;
	[dreg:$0x2] =	wrdreg s3  }
0x21: {  	[dreg:$0x3] =	wrdreg s5  }
0x22: {  	[dreg:$0x4] =	wrdreg $0xC0  }
0x23: {  	_ =	task [dreg:s7], $0x5FFFF  }
0x24: {  	[dreg:$0x1] =	wrdreg $0xFFFFFFFF  }
0x25: {  	[dreg:$0x0] =	wrdreg $0x60  }
0x26: {  	[dreg:$0x2] =	wrdreg s25  }
0x27: {  	[dreg:$0x3] =	wrdreg s2  }
0x28: {  	[dreg:$0x4] =	wrdreg $0x9  }
0x29: {  	_ =	task.clear_ibuf [dreg:s7], $0x5FFFF;
	_ =	strace $0x90000046  }
0x2a: {  	s29 =	simm.s32 $0x9;
	_ =	strace $0x80000048  }
0x2b: {  	_ =	swait.ge [sflag:s29], $0x1  }
0x2c: {  	[sflag:s29] =	ssyncadd.s32 $0xFFFFFFFF  }
0x2d: {  	_ =	strace $0x90000048  }
0x2e: {  	_ =	sfence  }
0x2f: {  	s30 =	sld [smem:$0x0];
	_ =	sdelay $0x2  }
0x30: {  	s31 =	sshll.u32 s1, $0xD;
	s1 =	sshrl.u32 s1, $0x2  }
0x31: {  	s3 =	sand.u32 $0x4000, s31;
	s1 =	sadd.s32 s1, s30  }
0x32: {  	s0 =	sor.u32 s3, s0;
	s1 =	sshll.u32 s1, $0x11  }
0x33: {  	s0 =	sor.u32 s1, s0  }
0x34: {  	s0 =	sadd.s32 $0x8F2B, s0  }
0x35: {  	[sflag:s0] =	ssyncadd.remote.s32 $0x1  }
0x36: {  	_ =	sfence.sel $0xFFFF  }
0x37: {  	[dreg:$0x0] =	wrdreg $0xFFFFFFFF;
	(pc) =	sbr.abs _section_cstart, $3  }
0x38: {  	[dreg:$0x1] =	wrdreg $0xFFFFFFFF  }
0x39: {  	_ =	task.clear_ibuf [dreg:s7], $0x2FFFF;
	_ =	strace $0x9FFFFFFF  }
0x3a: {  	(tm) =	ssettm $0x7FFFFFFF  }
0x3b: {  	_ =	shalt  }
tec
execute0_lowered:
.L_overlay_start_1:
0x0: {  	(tag) =	ssettag $0x1  }
0x1: {  	s0 =	srdreg.scid  }
0x2: {  	s1 =	sshll.u32 s0, $0x4  }
0x3: {  	s6 =	rddreg [dreg:$0x0];
	s0 =	stileid.u32;
	s1 =	sand.u32 $0x10, s1  }
0x4: {  	s3 =	rddreg [dreg:$0x1];
	s1 =	sor.u32 s0, s1  }
0x5: {  	s5 =	simm.s32 $0x1;
	s31 =	simm.s32 $0x2;
	s2 =	sshll.u32 s1, $0x7  }
0x6: {  	s15 =	simm.s32 $0x0;
	s8 =	simm.s32 $0xC8000;
	s4 =	ssub.s32 $0x1000, s2  }
0x7: {  	s14 =	simm.s32 $0x0;
	s9 =	simm.s32 $0x0;
	s30 =	sand.u32 $0xF80, s4  }
0x8: {  	s10 =	simm.s32 $0x0;
	s11 =	simm.s32 $0x0;
	p0 =	sne.s32 s30, $0x0  }
.Ltmp0:
0x9: {  	s7 =	sshrl.u32 s4, $0xC;
	s5 =	simm.s32 @!p0 $0x0;
	(pc) =	sbr.rel .LBB1_1-.Ltmp0, $4  }
0xa: {  	s13 =	simm.s32 $0x0;
	s1 =	rddreg [dreg:$0x2];
	s5 =	sadd.s32 s5, s7  }
0xb: {  	_ =	strace $0x80000047;
	s4 =	simm.s32 $0x1;
	s5 =	smul.u32 $0xC8, s5  }
0xc: {  	s6 =	sadd.s32 $0xC80800, s6;
	s12 =	smov.u32 s2;
	[sflag:s4] =	ssyncpa.u1 $0x0  }
0xd: {  	[sflag:s31] =	ssyncpa.u1 $0x0;
	p0 =	por $0x0, $0x0;
	s7 =	sor.u32 $0x1, s5  }
.LBB1_4:
0xe: {  	s18 =	sshll.u32 s9, $0xC;
	s19 =	sand.u32 $0x78, s10;
	s20 =	sshll.u32 s10, $0x3  }
0xf: {  	s22 =	sshll.u32 s9, $0x7;
	p1 =	sgt.s32 s9, $0xC7;
	s25 =	sshra.s32 s9, $0x1F  }
0x10: {  	s23 =	smov.u32 s10;
	s24 =	sshra.s32 s10, $0x1F;
	s29 =	sand.u32 $0x7, s10  }
0x11: {  	s18 =	sand.u32 $0xFFFF8000, s18;
	s21 =	sand.u32 $0xFFFFFC00, s20;
	s20 =	sand.u32 $0xC00, s20  }
0x12: {  	s30 =	sand.u32 $0x380, s22;
	s22 =	sand.u32 s25, s9;
	s18 =	sadd.s32 s21, s18  }
0x13: {  	s19 =	sor.u32 s19, s20;
	s20 =	smov.u32 s9;
	s18 =	sshrl.u32 s18, $0xC  }
0x14: {  	s20 =	simm.s32 @!p1 $0xC7;
	p1 =	sgt.s32 s10, $0xF80;
	s31 =	smulhi.u32 $0x147AE15, s18  }
0x15: {  	s26 =	sand.u32 s24, s10;
	s20 =	ssub.s32 s20, s22;
	s23 =	simm.s32 @!p1 $0xF80  }
0x16: {  	s27 =	ssub.s32 $0xC8, s20;
	s22 =	ssub.s32 s23, s26;
	s21 =	smul.u32 $0xC8, s31  }
0x17: {  	s20 =	sadd.s32 $0xFFFFFF39, s20;
	s23 =	smul.u32 $0x1E, s27;
	s28 =	sadd.s32 $0xFFFFF080, s22  }
0x18: {  	p1 =	sgt.s32 s20, $0x0;
	s20 =	ssub.s32 $0x1000, s22;
	p2 =	sgt.s32 s28, $0x7F  }
0x19: {  	s19 =	sor.u32 s30, s19;
	s23 =	simm.s32 @p1 $0x0;
	s20 =	simm.s32 @p2 $0x0  }
0x1a: {  	s19 =	sshrl.u32 s19, $0x3;
	s18 =	ssub.s32 s18, s21;
	s20 =	smul.u32 s20, s23  }
0x1b: {  	s19 =	sadd.s32 s3, s19;
	s21 =	sshll.u32 s29, $0x12;
	s18 =	sshll.u32 s18, $0x9  }
0x1c: {  	[tilespmem:s17+$0x0 ss:$0x81] =	vst.msk $0xffff, v0;
	s31 =	sor.u32 $0x80, s21;
	s18 =	sadd.s32 s18, s19;
	s30 =	sand.u32 $0x3FFFFFFE, s20  }
0x1d: {  	[hbm4b:s18+s31] =	stream.strided.scatter [tilespmem:s16], [sflag:$0x2], s30, s8, s31, $0x20;
	[tilespmem:$0x4040] =	vst v63  }
.LBB1_5:
0x1e: {  	p1 =	slt.u32 s13, $0x2  }
0x1f: {  	s17 =	smov.u32 s15;
	p2 =	sgt.s32 @!p1 s15, $0xC7;
	s16 =	sshra.s32 @!p1 s15, $0x1F  }
0x20: {  	p3 =	sgt.s32 @!p1 s14, $0xF80;
	s18 =	sshra.s32 @!p1 s14, $0x1F;
	p2 =	por !p2, p1  }
0x21: {  	s15 =	sand.u32 @!p1 s16, s15;
	p3 =	por !p3, p1;
	s16 =	smov.u32 s14  }
0x22: {  	s14 =	sand.u32 @!p1 s18, s14;
	s17 =	simm.s32 @p2 $0xC7;
	s16 =	simm.s32 @p3 $0xF80  }
0x23: {  	s18 =	smov.u32 s12;
	s15 =	ssub.s32 @!p1 s17, s15;
	s14 =	ssub.s32 @!p1 s16, s14  }
0x24: {  	s16 =	sadd.s32 @!p1 $0xFFFFFF39, s15;
	s15 =	ssub.s32 @!p1 $0xC8, s15;
	s17 =	sadd.s32 @!p1 $0xFFFFF080, s14  }
0x25: {  	p2 =	sgt.s32 @!p1 s16, $0x0;
	s15 =	smul.u32 @!p1 $0x1E, s15;
	p3 =	sgt.s32 @!p1 s17, $0x7F  }
0x26: {  	s14 =	ssub.s32 @!p1 $0x1000, s14;
	p2 =	por !p2, p1;
	p3 =	por !p3, p1  }
0x27: {  	s16 =	sadd.s32 $0x1, s11;
	s15 =	simm.s32 @!p2 $0x0;
	s14 =	simm.s32 @!p3 $0x0  }
0x28: {  	p2 =	sgt.s32 s16, $0xC7;
	s14 =	smul.u32 @!p1 s14, s15;
	s15 =	sadd.s32 $0x1000, s12  }
0x29: {  	s18 =	smov.u32 @p2 s15  }
0x2a: {  	s16 =	simm.s32 @p2 $0x0;
	p2 =	sgt.s32 s18, $0xFFF  }
0x2b: {  	s18 =	smov.u32 @p2 s2;
	p2 =	sne.s32 s13, s7  }
.Ltmp1:
0x2c: {  	p0 =	por !p0, !p0;
	s17 =	simm.s32 @!p1 $0x2;
	(pc) =	sbr.rel @!p2 .LBB1_6-.Ltmp1, $4  }
0x2d: {  	s15 =	smov.u32 s9;
	s9 =	smov.u32 s11;
	s14 =	sand.u32 @!p1 $0x3FFFFFFE, s14  }
0x2e: {  	s11 =	smov.u32 s16;
	_ =	swait.ge @!p1 [sflag:s17], s14;
	s19 =	ssub.s32 @!p1 $0x0, s14  }
0x2f: {  	s14 =	smov.u32 s10;
	s13 =	sadd.s32 $0x1, s13;
	[sflag:s17] =	ssyncset.done @!p1 $0x0  }
0x30: {  	s10 =	smov.u32 s12;
	s12 =	smov.u32 s18;
	[sflag:s17] =	ssyncadd.s32 @!p1 s19  }
.LBB1_1:
0x31: {  	p1 =	sge.u32 s13, s5  }
0x32: {  	s16 =	sand.u32 @!p1 $0x1FFFFFF, s11  }
0x33: {  	s17 =	smulhi.u32 @!p1 $0x147AE15, s16;
	_ =	sdelay $0x1  }
0x34: {  	s17 =	smul.u32 @!p1 $0xC8, s17  }
0x35: {  	s18 =	sxor.u32 @!p1 $0xFFFFFFFF, s13;
	s19 =	smul.u32 @!p1 $0xC80, s12  }
0x36: {  	s31 =	sadd.s32 $0xFFFFFFFF, s13;
	s18 =	sshll.u32 @!p1 s18, $0xC;
	s16 =	ssub.s32 @!p1 s16, s17  }
0x37: {  	s17 =	sand.u32 @!p1 $0x1000, s18;
	s18 =	sadd.s32 @!p1 s6, s19;
	s16 =	sshll.u32 @!p1 s16, $0x4  }
0x38: {  	s19 =	simm.s32 @!p1 $0x6400;
	s16 =	sadd.s32 @!p1 s16, s18;
	s18 =	simm.s32 @!p1 $0x20  }
0x39: {  	[tilespmem:s17], [sflag:$0x1] =	stream.strided.gather @!p1 [hbm4b:s16+s18], $0x1000, s19, s18, $0x38;
	[tilespmem:$0x4040] =	vst v63  }
0x3a: {  	p1 =	sge.u32 s31, s5  }
.Ltmp2:
0x3b: {  	_ = 	snop;
	(pc) =	sbr.rel @p1 .LBB1_5-.Ltmp2, $1  }
0x3c: {  	_ =	sdelay $0x3  }
0x3d: {  	s16 =	simm.s32 $0x1  }
0x3e: {  	_ =	swait.ge [sflag:s4], $0x1000;
	s16 =	simm.s32 @!p0 $0x0  }
0x3f: {  	[sflag:s4] =	ssyncset.done $0x0;
	s17 =	sshll.u32 s16, $0xC  }
0x40: {  	[sflag:s4] =	ssyncadd.s32 $0xFFFFF000;
	s20 =	sor.u32 $0x10, s17  }
0x41: {  	s16 =	smul.u32 $0x4080, s16;
	v1 =	vld [tilespmem:s20+$0x0]  }
0x42: {  	s30 =	sand.u32 $0x1, s13;
	v0 =	vld [tilespmem:s20+$0xFFFFFFF0]  }
0x43: {  	s17 =	smul.u32 $0x4080, s30;
	s16 =	sshrl.u32 s16, $0x2  }
0x44: {  	s18 =	sor.u32 $0x2000, s16  }
0x45: {  	s31 =	sshrl.u32 s17, $0x2;
	s17 =	sadd.s32 $0x0, s18  }
0x46: {  	s19 =	simm.s32 $0x4;
	s20 =	sadd.s32 $0x20, s20;
	s16 =	sor.u32 $0x2000, s31;
	[tilespmem:s17+$0x810 ss:$0x81] =	vst.msk $0xffff, v1  }
.LBB1_3:
0x47: {  	v1 =	vld [tilespmem:s20+$0x0];
	p1 =	sne.s32 s19, $0x1FC;
	[tilespmem:s17+$0x0 ss:$0x81] =	vst.msk $0xffff, v0;
	s17 =	smov.u32 s19;
	s19 =	sadd.s32 $0x4, s19  }
.Ltmp3:
0x48: {  	v0 =	vld [tilespmem:s20+$0xFFFFFFF0];
	(pc) =	sbr.rel @p1 .LBB1_3-.Ltmp3, $4  }
0x49: {  	_ = 	snop  }
0x4a: {  	s17 =	sshra.s32 s17, $0x2  }
0x4b: {  	s17 =	sadd.s32 s17, s18  }
0x4c: {  	s20 =	sadd.s32 $0x20, s20;
	[tilespmem:s17+$0x810 ss:$0x81] =	vst.msk $0xffff, v1  }
.Ltmp4:
0x4d: {  	_ = 	snop;
	(pc) =	sbr.rel .LBB1_4-.Ltmp4, $1  }
0x4e: {  	_ =	sdelay $0x3  }
.LBB1_6:
0x4f: {  	_ =	sfence.sel $0x180000  }
0x50: {  	s2 =	simm.s32 $0x1;
	[bflag:$0x0] =	sbarrier.arrive $0xFFFF  }
0x51: {  	s31 =	simm.s32 $0x2;
	[sflag:s2] =	ssyncpa.u1 $0x1  }
0x52: {  	[sflag:s31] =	ssyncpa.u1 $0x1  }
0x53: {  	p0 =	sne.s32 s0, $0x0;
	_ =	strace $0x90000047  }
0x54: {  	s0 =	sadd.s32 @!p0 $0x100000, s1;
	[bflag:$0x2] =	sbarrier.arrive $0xFFFF  }
0x55: {  	[sflag:s0] =	ssyncadd.tile.s32 @!p0 $0x1;
	_ =	shalt  }
.Lfunc_end1:
_tile_overlayer_lowered:
.L_overlay_start_2:
0x56: {  	(tag) =	ssettag $0x2  }
0x57: {  	s0 =	rddreg [dreg:$0x0];
	s2 =	stileid.u32  }
0x58: {  	s1 =	rddreg [dreg:$0x1];
	p0 =	sne.s32 s2, $0x0  }
0x59: {  	s3 =	rddreg [dreg:$0x2];
	[bflag:$0x3] =	sbarrier.arrive $0xFFFF;
	s2 =	simm.s32 @!p0 $0x1C01  }
0x5a: {  	[timem:s3], [sflag:s2] =	dma.local @!p0 [hbm:s0], s1  }
0x5b: {  	s0 =	simm.s32 @!p0 $0x1  }
0x5c: {  	_ =	swait.ge @!p0 [sflag:s0], s1  }
0x5d: {  	s1 =	ssub.s32 @!p0 $0x0, s1;
	[sflag:s0] =	ssyncset.done @!p0 $0x0  }
0x5e: {  	[sflag:s0] =	ssyncadd.s32 @!p0 s1  }
0x5f: {  	[bflag:$0x3] =	sbarrier.arrive $0xFFFF  }
0x60: {  	_ =	shalt  }

</sc_bundles>
